<compile_context>
chip_gen: v7x
topology: tpu7x:2x2x1
jax: 0.10.2.dev20260603
libtpu: 0.0.44.dev20260713+nightly
codegen_flags: <defaults>
</compile_context>

<pallas_src>
import functools

import jax
import jax.numpy as jnp
from jax import lax
from jax.experimental import pallas as pl
from jax.experimental.pallas import tpu as pltpu

N, D, H, CAP = 32768, 512, 128, 64
BN = 2048
NB = N // BN
RS, CS = 256, 128

_PREC = None


def _proj_body(x_ref, cb_ref, wq_ref, bq_ref, wk_ref, bk_ref, w1_ref, b1_ref,
               w2_ref, b2_ref, logits_ref, vs_ref):
    cb = cb_ref[...]
    q = lax.dot_general(cb, wq_ref[...], (((1,), (1,)), ((), ())),
                        precision=_PREC) + bq_ref[...]
    nrm = jnp.sqrt(jnp.sum(q * q))
    qn = q / jnp.maximum(nrm, 1e-12) * 2.0
    x = x_ref[...]
    k = lax.dot_general(x, wk_ref[...], (((1,), (1,)), ((), ())),
                        precision=_PREC) + bk_ref[...]
    logits = lax.dot_general(qn, k, (((1,), (1,)), ((), ())),
                             precision=_PREC) / jnp.sqrt(jnp.float32(H))
    logits_ref[...] = logits
    h = jnp.maximum(
        lax.dot_general(x, w1_ref[...], (((1,), (1,)), ((), ())),
                        precision=_PREC) + b1_ref[...], 0.0)
    y = lax.dot_general(w2_ref[...], h, (((1,), (1,)), ((), ())),
                        precision=_PREC) + b2_ref[...]
    vs_ref[...] = 1.0 / (1.0 + jnp.exp(-y))


def _proj(x, cb, wq, bq, wk, bk, w1, b1, w2, b2):
    return pl.pallas_call(
        _proj_body,
        grid=(NB,),
        in_specs=[
            pl.BlockSpec((BN, D), lambda i: (i, 0)),
            pl.BlockSpec((1, D), lambda i: (0, 0)),
            pl.BlockSpec((H, D), lambda i: (0, 0)),
            pl.BlockSpec((1, H), lambda i: (0, 0)),
            pl.BlockSpec((H, D), lambda i: (0, 0)),
            pl.BlockSpec((1, H), lambda i: (0, 0)),
            pl.BlockSpec((2 * H, D), lambda i: (0, 0)),
            pl.BlockSpec((1, 2 * H), lambda i: (0, 0)),
            pl.BlockSpec((1, 2 * H), lambda i: (0, 0)),
            pl.BlockSpec((1, 1), lambda i: (0, 0)),
        ],
        out_specs=[pl.BlockSpec((1, BN), lambda i: (0, i)),
                   pl.BlockSpec((1, BN), lambda i: (0, i))],
        out_shape=[jax.ShapeDtypeStruct((1, N), jnp.float32),
                   jax.ShapeDtypeStruct((1, N), jnp.float32)],
    )(x, cb, wq, bq, wk, bk, w1, b1, w2, b2)


def _finalize_body(l_ref, v_ref, alloc_ref, idx_ref):
    l = l_ref[...]
    v = v_ref[...]
    m = jnp.max(l)
    e = jnp.exp(l - m)
    aw = e / jnp.sum(e)
    al = aw * v
    s = jnp.sum(jnp.abs(al))
    alloc = al / jnp.maximum(s, 1e-12)
    alloc_ref[...] = alloc

    rows = lax.broadcasted_iota(jnp.int32, (RS, CS), 0)
    cols = lax.broadcasted_iota(jnp.int32, (RS, CS), 1)
    gidx = rows * CS + cols
    lane = lax.broadcasted_iota(jnp.int32, (1, CS), 1)

    def body(kk, carry):
        a, idxs = carry
        mx = jnp.max(a)
        cand = jnp.where(a == mx, gidx, N)
        i = jnp.min(cand)
        idxs = jnp.where(lane == kk, i, idxs)
        a = jnp.where(gidx == i, -jnp.inf, a)
        return a, idxs

    _, idxs = lax.fori_loop(0, CAP, body,
                            (alloc, jnp.zeros((1, CS), jnp.int32)))
    idx_ref[...] = idxs


def _finalize(logits2d, vs2d):
    return pl.pallas_call(
        _finalize_body,
        out_shape=[jax.ShapeDtypeStruct((RS, CS), jnp.float32),
                   jax.ShapeDtypeStruct((1, CS), jnp.int32)],
    )(logits2d, vs2d)


_GW = 8
_GROWS = CAP // _GW


def _sc_gather_body(x_hbm, idx_hbm, out_hbm, idx_v, rows_v, sem):
    wid = lax.axis_index("s") * 2 + lax.axis_index("c")

    @pl.when(wid < _GW)
    def _():
        base = wid * _GROWS
        pltpu.sync_copy(idx_hbm.at[pl.ds(base, _GROWS)], idx_v)
        pltpu.async_copy(x_hbm.at[idx_v], rows_v, sem).wait()
        pltpu.sync_copy(rows_v, out_hbm.at[pl.ds(base, _GROWS)])


def _gather(idx, x):
    from jax.experimental.pallas import tpu_sc as plsc
    mesh = plsc.VectorSubcoreMesh(core_axis_name="c", subcore_axis_name="s")
    f = functools.partial(
        pl.kernel,
        mesh=mesh,
        out_type=jax.ShapeDtypeStruct((CAP, D), jnp.float32),
        scratch_types=[
            pltpu.VMEM((_GROWS,), jnp.int32),
            pltpu.VMEM((_GROWS, D), jnp.float32),
            pltpu.SemaphoreType.DMA,
        ],
    )(_sc_gather_body)
    return f(x, idx)


def kernel(sensory_input, conscious_bias, Wq, bq, Wk, bk, W1, b1, W2, b2):
    cb = conscious_bias.reshape(1, D)
    bq2 = bq.reshape(1, H)
    bk2 = bk.reshape(1, H)
    b12 = b1.reshape(1, 2 * H)
    b22 = b2.reshape(1, 1)
    logits, vs = _proj(sensory_input, cb, Wq, bq2, Wk, bk2, W1, b12, W2, b22)
    alloc2d, idxs = _finalize(logits.reshape(RS, CS), vs.reshape(RS, CS))
    idx64 = idxs[0, :CAP]
    attended = _gather(idx64, sensory_input)
    return (attended, alloc2d.reshape(N), vs.reshape(N))

# --- scband reference (transcript-rebuilt; emitter-appended) ---
"""Pipeline reference for scband-conscious-attention-73538430042407 (READ-ONLY COPY).

The authoritative reference and input builder live on the scoring server;
editing this copy changes nothing except your own understanding.
"""

import jax, jax.numpy as jnp
import numpy as np

N, D, H, CAP = 32768, 512, 128, 64

def setup_inputs(seed: int = 0) -> dict:
    key = jax.random.key(seed)
    ks = jax.random.split(key, 10)
    sensory_input = jax.random.normal(ks[0], (N, D), dtype=jnp.float32)
    conscious_bias = jax.random.normal(ks[1], (D,), dtype=jnp.float32)
    Wq = jax.random.normal(ks[2], (H, D), dtype=jnp.float32) * 0.02
    bq = jnp.zeros((H,), dtype=jnp.float32)
    Wk = jax.random.normal(ks[3], (H, D), dtype=jnp.float32) * 0.02
    bk = jnp.zeros((H,), dtype=jnp.float32)
    W1 = jax.random.normal(ks[4], (2 * H, D), dtype=jnp.float32) * 0.02
    b1 = jnp.zeros((2 * H,), dtype=jnp.float32)
    W2 = jax.random.normal(ks[5], (1, 2 * H), dtype=jnp.float32) * 0.02
    b2 = jnp.zeros((1,), dtype=jnp.float32)
    return {"sensory_input": sensory_input, "conscious_bias": conscious_bias,
            "Wq": Wq, "bq": bq, "Wk": Wk, "bk": bk,
            "W1": W1, "b1": b1, "W2": W2, "b2": b2}

def reference(sensory_input, conscious_bias, Wq, bq, Wk, bk, W1, b1, W2, b2):
    scale = jnp.float32(H ** 0.5)
    # query projection on conscious bias + L2 normalize * 2.0
    q = conscious_bias @ Wq.T + bq                      # [H]
    q = q / jnp.maximum(jnp.linalg.norm(q, ord=2), 1e-12) * 2.0
    # key projection on sensory input
    k = sensory_input @ Wk.T + bk                       # [N, H]
    # value network: Linear -> ReLU -> Linear -> Sigmoid, squeeze to [N]
    h = jax.nn.relu(sensory_input @ W1.T + b1)          # [N, 2H]
    value_scores = jax.nn.sigmoid(h @ W2.T + b2).squeeze(-1)  # [N]
    # attention logits and softmax over N
    attn_logits = (q @ k.T) / scale                     # [N]
    attn_weights = jax.nn.softmax(attn_logits, axis=-1)
    # combine with value scores and L1 normalize
    allocation = attn_weights * value_scores
    allocation = allocation / jnp.maximum(jnp.sum(jnp.abs(allocation), axis=-1), 1e-12)
    # top-k selection (memory-bound gather over long axis)
    top_values, top_indices = jax.lax.top_k(allocation, CAP)
    attended = jnp.take(sensory_input, top_indices, axis=0)  # [CAP, D]
    return attended, allocation, value_scores

if __name__ == "__main__":
    import jax
    _d = setup_inputs()
    print(jax.jit(kernel)(*tuple(_d.values())))

</pallas_src>

<mosaic_0001>
#map = affine_map<(d0, d1) -> (0, 0)>
#map1 = affine_map<(d0, d1) -> (0)>
module attributes {stable_mosaic.version = 14 : i64} {
  func.func @_sc_gather_body(%arg0: i32, %arg1: i32, %arg2: memref<32768x512xf32, #tpu.memory_space<hbm>>, %arg3: memref<64xi32, #tpu.memory_space<hbm>>, %arg4: memref<64x512xf32, #tpu.memory_space<hbm>>, %arg5: memref<8xi32, #tpu.memory_space<vmem>>, %arg6: memref<8x512xf32, #tpu.memory_space<vmem>>, %arg7: memref<!tpu.dma_semaphore, #tpu.memory_space<semaphore_mem>>) attributes {dimension_semantics = [#tpu.dimension_semantics<core_parallel>, #tpu.dimension_semantics<subcore_parallel>], iteration_bounds = array<i64: 2, 16>, scalar_prefetch = 0 : i64, scratch_operands = 3 : i64, tpu.core_type = #tpu.core_type<sc_vector_subcore>, window_params = [{transform_indices = #map}, {transform_indices = #map1}, {transform_indices = #map}]} {
    %mul3A = arith.constant 2 : i32
    %mul3A_0 = arith.muli %arg1, %mul3A : i32
    %add3A = arith.addi %mul3A_0, %arg0 : i32
    %lt3A = arith.constant 8 : i32
    %lt3A_1 = arith.cmpi slt, %add3A, %lt3A : i32
    %convert_element_type3A = arith.extui %lt3A_1 : i1 to i32
    %cond3A = arith.constant 0 : i32
    %cond3A_2 = arith.cmpi ne, %convert_element_type3A, %cond3A : i32
    scf.if %cond3A_2 {
      %mul3A_3 = arith.constant 8 : i32
      %mul3A_4 = arith.muli %add3A, %mul3A_3 : i32
      "tpu.region"() ({
        %run_scoped3A = tpu.sem_alloc : memref<!tpu.dma_semaphore, #tpu.memory_space<semaphore_mem>>
        %dma_start3A_9 = tpu.memref_slice %arg3[%mul3A_4] : memref<64xi32, #tpu.memory_space<hbm>> -> memref<8xi32, #tpu.memory_space<hbm>>
        %dma_start3A_10 = tpu.memref_slice %arg3[%mul3A_4] : memref<64xi32, #tpu.memory_space<hbm>> -> memref<8xi32, #tpu.memory_space<hbm>>
        tpu.enqueue_dma source(%dma_start3A_10 : memref<8xi32, #tpu.memory_space<hbm>>) target(%arg5 : memref<8xi32, #tpu.memory_space<vmem>>) target_semaphore(%run_scoped3A : memref<!tpu.dma_semaphore, #tpu.memory_space<semaphore_mem>>)
        %dma_wait3A_11 = tpu.memref_slice %arg3[%mul3A_4] : memref<64xi32, #tpu.memory_space<hbm>> -> memref<8xi32, #tpu.memory_space<hbm>>
        %dma_wait3A_12 = tpu.memref_slice %arg3[%mul3A_4] : memref<64xi32, #tpu.memory_space<hbm>> -> memref<8xi32, #tpu.memory_space<hbm>>
        tpu.wait_dma2 semaphore(%run_scoped3A : memref<!tpu.dma_semaphore, #tpu.memory_space<semaphore_mem>>) src(%dma_wait3A_12 : memref<8xi32, #tpu.memory_space<hbm>>) dst(%arg5 : memref<8xi32, #tpu.memory_space<vmem>>)
        tpu.yield
      }) : () -> ()
      %dma_start3A = arith.constant 0 : i32
      %dma_start3A_5 = arith.constant 0 : i32
      %dma_start3A_6 = tpu.memref_slice %arg2[%dma_start3A, %dma_start3A_5] : memref<32768x512xf32, #tpu.memory_space<hbm>> -> memref<32768x512xf32, #tpu.memory_space<hbm>>
      tpu.enqueue_indirect_dma source(%dma_start3A_6 : memref<32768x512xf32, #tpu.memory_space<hbm>>) target(%arg6 : memref<8x512xf32, #tpu.memory_space<vmem>>) offsets(%arg5 : memref<8xi32, #tpu.memory_space<vmem>>) semaphore(%arg7 : memref<!tpu.dma_semaphore, #tpu.memory_space<semaphore_mem>>)
      %dma_wait3A = arith.constant 0 : i32
      %dma_wait3A_7 = arith.constant 0 : i32
      %dma_wait3A_8 = tpu.memref_slice %arg2[%dma_wait3A, %dma_wait3A_7] : memref<32768x512xf32, #tpu.memory_space<hbm>> -> memref<32768x512xf32, #tpu.memory_space<hbm>>
      tpu.wait_indirect_dma semaphore(%arg7 : memref<!tpu.dma_semaphore, #tpu.memory_space<semaphore_mem>>) src(%dma_wait3A_8 : memref<32768x512xf32, #tpu.memory_space<hbm>>) dst(%arg6 : memref<8x512xf32, #tpu.memory_space<vmem>>)
      "tpu.region"() ({
        %run_scoped3A = tpu.sem_alloc : memref<!tpu.dma_semaphore, #tpu.memory_space<semaphore_mem>>
        %dma_start3A_9 = arith.constant 0 : i32
        %dma_start3A_10 = tpu.memref_slice %arg4[%mul3A_4, %dma_start3A_9] : memref<64x512xf32, #tpu.memory_space<hbm>> -> memref<8x512xf32, #tpu.memory_space<hbm>>
        %dma_start3A_11 = arith.constant 0 : i32
        %dma_start3A_12 = tpu.memref_slice %arg4[%mul3A_4, %dma_start3A_11] : memref<64x512xf32, #tpu.memory_space<hbm>> -> memref<8x512xf32, #tpu.memory_space<hbm>>
        tpu.enqueue_dma source(%arg6 : memref<8x512xf32, #tpu.memory_space<vmem>>) target(%dma_start3A_12 : memref<8x512xf32, #tpu.memory_space<hbm>>) target_semaphore(%run_scoped3A : memref<!tpu.dma_semaphore, #tpu.memory_space<semaphore_mem>>)
        %dma_wait3A_13 = arith.constant 0 : i32
        %dma_wait3A_14 = tpu.memref_slice %arg4[%mul3A_4, %dma_wait3A_13] : memref<64x512xf32, #tpu.memory_space<hbm>> -> memref<8x512xf32, #tpu.memory_space<hbm>>
        %dma_wait3A_15 = arith.constant 0 : i32
        %dma_wait3A_16 = tpu.memref_slice %arg4[%mul3A_4, %dma_wait3A_15] : memref<64x512xf32, #tpu.memory_space<hbm>> -> memref<8x512xf32, #tpu.memory_space<hbm>>
        tpu.wait_dma2 semaphore(%run_scoped3A : memref<!tpu.dma_semaphore, #tpu.memory_space<semaphore_mem>>) src(%arg6 : memref<8x512xf32, #tpu.memory_space<vmem>>) dst(%dma_wait3A_16 : memref<8x512xf32, #tpu.memory_space<hbm>>)
        tpu.yield
      }) : () -> ()
    } else {
    }
    return
  }
}

module attributes {stable_mosaic.version = 14 : i64} {
  func.func @_finalize_body(%arg0: memref<256x128xf32, #tpu.memory_space<vmem>>, %arg1: memref<256x128xf32, #tpu.memory_space<vmem>>, %arg2: memref<256x128xf32, #tpu.memory_space<vmem>>, %arg3: memref<1x128xi32, #tpu.memory_space<vmem>>) attributes {dimension_semantics = [], scalar_prefetch = 0 : i64, scratch_operands = 0 : i64, tpu.core_type = #tpu.core_type<tc>} {
    %get3A = arith.constant 0 : index
    %get3A_0 = arith.constant 0 : index
    %get3A_1 = vector.load %arg0[%get3A, %get3A_0] : memref<256x128xf32, #tpu.memory_space<vmem>>, vector<256x128xf32>
    %get3A_2 = arith.constant 0 : index
    %get3A_3 = arith.constant 0 : index
    %get3A_4 = vector.load %arg1[%get3A_2, %get3A_3] : memref<256x128xf32, #tpu.memory_space<vmem>>, vector<256x128xf32>
    %reduce_max3A = vector.shape_cast %get3A_1 : vector<256x128xf32> to vector<1x256x128xf32>
    %reduce_max3A_5 = arith.constant dense<0xFF800000> : vector<1xf32>
    %reduce_max3A_6 = vector.multi_reduction <maximumf>, %reduce_max3A, %reduce_max3A_5 [1, 2] : vector<1x256x128xf32> to vector<1xf32>
    %reduce_max3A_7 = vector.shape_cast %reduce_max3A_6 : vector<1xf32> to vector<1x1x1xf32>
    %reduce_max3A_8 = vector.extract %reduce_max3A_7[0, 0, 0] : f32 from vector<1x1x1xf32>
    %sub3A = vector.broadcast %reduce_max3A_8 : f32 to vector<256x128xf32>
    %sub3A_9 = arith.subf %get3A_1, %sub3A : vector<256x128xf32>
    %exp3A = math.exp %sub3A_9 : vector<256x128xf32>
    %reduce_sum3A = vector.shape_cast %exp3A : vector<256x128xf32> to vector<1x256x128xf32>
    %reduce_sum3A_10 = arith.constant dense<0.000000e+00> : vector<1xf32>
    %reduce_sum3A_11 = vector.multi_reduction <add>, %reduce_sum3A, %reduce_sum3A_10 [1, 2] : vector<1x256x128xf32> to vector<1xf32>
    %reduce_sum3A_12 = vector.shape_cast %reduce_sum3A_11 : vector<1xf32> to vector<1x1x1xf32>
    %reduce_sum3A_13 = vector.extract %reduce_sum3A_12[0, 0, 0] : f32 from vector<1x1x1xf32>
    %div3A = vector.broadcast %reduce_sum3A_13 : f32 to vector<256x128xf32>
    %div3A_14 = arith.divf %exp3A, %div3A : vector<256x128xf32>
    %mul3A = arith.mulf %div3A_14, %get3A_4 : vector<256x128xf32>
    %abs3A = math.absf %mul3A : vector<256x128xf32>
    %reduce_sum3A_15 = vector.shape_cast %abs3A : vector<256x128xf32> to vector<1x256x128xf32>
    %reduce_sum3A_16 = arith.constant dense<0.000000e+00> : vector<1xf32>
    %reduce_sum3A_17 = vector.multi_reduction <add>, %reduce_sum3A_15, %reduce_sum3A_16 [1, 2] : vector<1x256x128xf32> to vector<1xf32>
    %reduce_sum3A_18 = vector.shape_cast %reduce_sum3A_17 : vector<1xf32> to vector<1x1x1xf32>
    %reduce_sum3A_19 = vector.extract %reduce_sum3A_18[0, 0, 0] : f32 from vector<1x1x1xf32>
    %max3A = arith.constant 9.99999996E-13 : f32
    %max3A_20 = arith.maximumf %reduce_sum3A_19, %max3A : f32
    %div3A_21 = vector.broadcast %max3A_20 : f32 to vector<256x128xf32>
    %div3A_22 = arith.divf %mul3A, %div3A_21 : vector<256x128xf32>
    %swap3A = arith.constant 0 : index
    %swap3A_23 = arith.constant 0 : index
    %swap3A_24 = vector.load %arg2[%swap3A, %swap3A_23] : memref<256x128xf32, #tpu.memory_space<vmem>>, vector<256x128xf32>
    tpu.vector_store %arg2[%swap3A, %swap3A_23], %div3A_22 {strides = array<i32>} : memref<256x128xf32, #tpu.memory_space<vmem>>, vector<256x128xf32>,
    %iota3A = tpu.iota {dimensions = array<i32: 0>} : vector<256x128xi32>
    %iota3A_25 = tpu.iota {dimensions = array<i32: 1>} : vector<256x128xi32>
    %mul3A_26 = arith.constant 128 : i32
    %mul3A_27 = vector.broadcast %mul3A_26 : i32 to vector<256x128xi32>
    %mul3A_28 = arith.muli %iota3A, %mul3A_27 : vector<256x128xi32>
    %add3A = arith.addi %mul3A_28, %iota3A_25 : vector<256x128xi32>
    %iota3A_29 = tpu.iota {dimensions = array<i32: 1>} : vector<1x128xi32>
    %broadcast_in_dim3A = arith.constant 0 : i32
    %broadcast_in_dim3A_30 = vector.broadcast %broadcast_in_dim3A : i32 to vector<1x128xi32>
    %scan3A = arith.constant 0 : i32
    %scan3A_31 = arith.constant 64 : i32
    %scan3A_32 = arith.addi %scan3A, %scan3A_31 : i32
    %scan3A_33 = arith.constant 1 : i32
    %scan3A_34:2 = scf.for %scan3A_39 = %scan3A to %scan3A_32 step %scan3A_33 iter_args(%scan3A_40 = %div3A_22, %scan3A_41 = %broadcast_in_dim3A_30) -> (vector<256x128xf32>, vector<1x128xi32>)  : i32 {
      %reduce_max3A_42 = vector.shape_cast %scan3A_40 : vector<256x128xf32> to vector<1x256x128xf32>
      %reduce_max3A_43 = arith.constant dense<0xFF800000> : vector<1xf32>
      %reduce_max3A_44 = vector.multi_reduction <maximumf>, %reduce_max3A_42, %reduce_max3A_43 [1, 2] : vector<1x256x128xf32> to vector<1xf32>
      %reduce_max3A_45 = vector.shape_cast %reduce_max3A_44 : vector<1xf32> to vector<1x1x1xf32>
      %reduce_max3A_46 = vector.extract %reduce_max3A_45[0, 0, 0] : f32 from vector<1x1x1xf32>
      %eq3A = vector.broadcast %reduce_max3A_46 : f32 to vector<256x128xf32>
      %eq3A_47 = arith.cmpf oeq, %scan3A_40, %eq3A : vector<256x128xf32>
      %jit3A = arith.constant 32768 : i32
      %broadcast_in_dim3A_48 = vector.broadcast %jit3A : i32 to vector<256x128xi32>
      %select_n3A = arith.select %eq3A_47, %add3A, %broadcast_in_dim3A_48 : vector<256x128xi1>, vector<256x128xi32>
      %reduce_min3A = vector.shape_cast %select_n3A : vector<256x128xi32> to vector<1x256x128xi32>
      %reduce_min3A_49 = arith.constant dense<2147483647> : vector<1xi32>
      %reduce_min3A_50 = vector.multi_reduction <minsi>, %reduce_min3A, %reduce_min3A_49 [1, 2] : vector<1x256x128xi32> to vector<1xi32>
      %reduce_min3A_51 = vector.shape_cast %reduce_min3A_50 : vector<1xi32> to vector<1x1x1xi32>
      %reduce_min3A_52 = vector.extract %reduce_min3A_51[0, 0, 0] : i32 from vector<1x1x1xi32>
      %eq3A_53 = vector.broadcast %scan3A_39 : i32 to vector<1x128xi32>
      %eq3A_54 = arith.cmpi eq, %iota3A_29, %eq3A_53 : vector<1x128xi32>
      %broadcast_in_dim3A_55 = vector.broadcast %reduce_min3A_52 : i32 to vector<1x128xi32>
      %select_n3A_56 = arith.select %eq3A_54, %broadcast_in_dim3A_55, %scan3A_41 : vector<1x128xi1>, vector<1x128xi32>
      %eq3A_57 = vector.broadcast %reduce_min3A_52 : i32 to vector<256x128xi32>
      %eq3A_58 = arith.cmpi eq, %add3A, %eq3A_57 : vector<256x128xi32>
      %jit3A_59 = arith.constant 0xFF800000 : f32
      %broadcast_in_dim3A_60 = vector.broadcast %jit3A_59 : f32 to vector<256x128xf32>
      %select_n3A_61 = arith.select %eq3A_58, %broadcast_in_dim3A_60, %scan3A_40 : vector<256x128xi1>, vector<256x128xf32>
      scf.yield %select_n3A_61, %select_n3A_56 : vector<256x128xf32>, vector<1x128xi32>
    }
    %scan3A_35 = arith.constant 64 : i32
    %swap3A_36 = arith.constant 0 : index
    %swap3A_37 = arith.constant 0 : index
    %swap3A_38 = vector.load %arg3[%swap3A_36, %swap3A_37] : memref<1x128xi32, #tpu.memory_space<vmem>>, vector<1x128xi32>
    tpu.vector_store %arg3[%swap3A_36, %swap3A_37], %scan3A_34#1 {strides = array<i32>} : memref<1x128xi32, #tpu.memory_space<vmem>>, vector<1x128xi32>,
    return
  }
}

module attributes {stable_mosaic.version = 14 : i64} {
  func.func @_proj_body(%arg0: i32, %arg1: memref<2048x512xf32, #tpu.memory_space<vmem>>, %arg2: memref<1x512xf32, #tpu.memory_space<vmem>>, %arg3: memref<128x512xf32, #tpu.memory_space<vmem>>, %arg4: memref<1x128xf32, #tpu.memory_space<vmem>>, %arg5: memref<128x512xf32, #tpu.memory_space<vmem>>, %arg6: memref<1x128xf32, #tpu.memory_space<vmem>>, %arg7: memref<256x512xf32, #tpu.memory_space<vmem>>, %arg8: memref<1x256xf32, #tpu.memory_space<vmem>>, %arg9: memref<1x256xf32, #tpu.memory_space<vmem>>, %arg10: memref<1x1xf32, #tpu.memory_space<vmem>>, %arg11: memref<1x2048xf32, #tpu.memory_space<vmem>>, %arg12: memref<1x2048xf32, #tpu.memory_space<vmem>>) attributes {dimension_semantics = [#tpu.dimension_semantics<arbitrary>], iteration_bounds = array<i64: 16>, scalar_prefetch = 0 : i64, scratch_operands = 0 : i64, tpu.core_type = #tpu.core_type<tc>, window_params = [{transform_indices = @transform_0, window_bounds = array<i64: 2048, 512>}, {pipeline_mode = #tpu.pipeline_mode<synchronous>, transform_indices = @transform_1, window_bounds = array<i64: 1, 512>}, {pipeline_mode = #tpu.pipeline_mode<synchronous>, transform_indices = @transform_2, window_bounds = array<i64: 128, 512>}, {pipeline_mode = #tpu.pipeline_mode<synchronous>, transform_indices = @transform_3, window_bounds = array<i64: 1, 128>}, {pipeline_mode = #tpu.pipeline_mode<synchronous>, transform_indices = @transform_4, window_bounds = array<i64: 128, 512>}, {pipeline_mode = #tpu.pipeline_mode<synchronous>, transform_indices = @transform_5, window_bounds = array<i64: 1, 128>}, {pipeline_mode = #tpu.pipeline_mode<synchronous>, transform_indices = @transform_6, window_bounds = array<i64: 256, 512>}, {pipeline_mode = #tpu.pipeline_mode<synchronous>, transform_indices = @transform_7, window_bounds = array<i64: 1, 256>}, {pipeline_mode = #tpu.pipeline_mode<synchronous>, transform_indices = @transform_8, window_bounds = array<i64: 1, 256>}, {pipeline_mode = #tpu.pipeline_mode<synchronous>, transform_indices = @transform_9, window_bounds = array<i64: 1, 1>}, {transform_indices = @transform_10, window_bounds = array<i64: 1, 2048>}, {transform_indices = @transform_11, window_bounds = array<i64: 1, 2048>}]} {
    %get3A = arith.constant 0 : index
    %get3A_0 = arith.constant 0 : index
    %get3A_1 = vector.load %arg2[%get3A, %get3A_0] : memref<1x512xf32, #tpu.memory_space<vmem>>, vector<1x512xf32>
    %get3A_2 = arith.constant 0 : index
    %get3A_3 = arith.constant 0 : index
    %get3A_4 = vector.load %arg3[%get3A_2, %get3A_3] : memref<128x512xf32, #tpu.memory_space<vmem>>, vector<128x512xf32>
    %dot_general3A = arith.constant dense<0.000000e+00> : vector<1x128xf32>
    %dot_general3A_5 = tpu.matmul %get3A_1, %get3A_4, %dot_general3A {dimension_numbers = #tpu.dot_dimension_numbers<[1], [1], [0], [0], [0, 0, 1, 0], [], []>, transpose_lhs_hint = false} : vector<1x512xf32>, vector<128x512xf32>, vector<1x128xf32> -> vector<1x128xf32>
    %get3A_6 = arith.constant 0 : index
    %get3A_7 = arith.constant 0 : index
    %get3A_8 = vector.load %arg4[%get3A_6, %get3A_7] : memref<1x128xf32, #tpu.memory_space<vmem>>, vector<1x128xf32>
    %add3A = arith.addf %dot_general3A_5, %get3A_8 : vector<1x128xf32>
    %mul3A = arith.mulf %add3A, %add3A : vector<1x128xf32>
    %reduce_sum3A = vector.shape_cast %mul3A : vector<1x128xf32> to vector<1x1x128xf32>
    %reduce_sum3A_9 = arith.constant dense<0.000000e+00> : vector<1xf32>
    %reduce_sum3A_10 = vector.multi_reduction <add>, %reduce_sum3A, %reduce_sum3A_9 [1, 2] : vector<1x1x128xf32> to vector<1xf32>
    %reduce_sum3A_11 = vector.shape_cast %reduce_sum3A_10 : vector<1xf32> to vector<1x1x1xf32>
    %reduce_sum3A_12 = vector.extract %reduce_sum3A_11[0, 0, 0] : f32 from vector<1x1x1xf32>
    %sqrt3A = math.sqrt %reduce_sum3A_12 : f32
    %max3A = arith.constant 9.99999996E-13 : f32
    %max3A_13 = arith.maximumf %sqrt3A, %max3A : f32
    %div3A = vector.broadcast %max3A_13 : f32 to vector<1x128xf32>
    %div3A_14 = arith.divf %add3A, %div3A : vector<1x128xf32>
    %mul3A_15 = arith.constant 2.000000e+00 : f32
    %mul3A_16 = vector.broadcast %mul3A_15 : f32 to vector<1x128xf32>
    %mul3A_17 = arith.mulf %div3A_14, %mul3A_16 : vector<1x128xf32>
    %get3A_18 = arith.constant 0 : index
    %get3A_19 = arith.constant 0 : index
    %get3A_20 = vector.load %arg1[%get3A_18, %get3A_19] : memref<2048x512xf32, #tpu.memory_space<vmem>>, vector<2048x512xf32>
    %get3A_21 = arith.constant 0 : index
    %get3A_22 = arith.constant 0 : index
    %get3A_23 = vector.load %arg5[%get3A_21, %get3A_22] : memref<128x512xf32, #tpu.memory_space<vmem>>, vector<128x512xf32>
    %dot_general3A_24 = arith.constant dense<0.000000e+00> : vector<2048x128xf32>
    %dot_general3A_25 = tpu.matmul %get3A_20, %get3A_23, %dot_general3A_24 {dimension_numbers = #tpu.dot_dimension_numbers<[1], [1], [0], [0], [0, 0, 1, 0], [], []>, transpose_lhs_hint = false} : vector<2048x512xf32>, vector<128x512xf32>, vector<2048x128xf32> -> vector<2048x128xf32>
    %get3A_26 = arith.constant 0 : index
    %get3A_27 = arith.constant 0 : index
    %get3A_28 = vector.load %arg6[%get3A_26, %get3A_27] : memref<1x128xf32, #tpu.memory_space<vmem>>, vector<1x128xf32>
    %add3A_29 = vector.broadcast %get3A_28 : vector<1x128xf32> to vector<2048x128xf32>
    %add3A_30 = arith.addf %dot_general3A_25, %add3A_29 : vector<2048x128xf32>
    %dot_general3A_31 = arith.constant dense<0.000000e+00> : vector<1x2048xf32>
    %dot_general3A_32 = tpu.matmul %mul3A_17, %add3A_30, %dot_general3A_31 {dimension_numbers = #tpu.dot_dimension_numbers<[1], [1], [0], [0], [0, 0, 1, 0], [], []>, transpose_lhs_hint = false} : vector<1x128xf32>, vector<2048x128xf32>, vector<1x2048xf32> -> vector<1x2048xf32>
    %sqrt3A_33 = arith.constant 1.280000e+02 : f32
    %sqrt3A_34 = math.sqrt %sqrt3A_33 : f32
    %div3A_35 = vector.broadcast %sqrt3A_34 : f32 to vector<1x2048xf32>
    %div3A_36 = arith.divf %dot_general3A_32, %div3A_35 : vector<1x2048xf32>
    %swap3A = arith.constant 0 : index
    %swap3A_37 = arith.constant 0 : index
    %swap3A_38 = vector.load %arg11[%swap3A, %swap3A_37] : memref<1x2048xf32, #tpu.memory_space<vmem>>, vector<1x2048xf32>
    tpu.vector_store %arg11[%swap3A, %swap3A_37], %div3A_36 {strides = array<i32>} : memref<1x2048xf32, #tpu.memory_space<vmem>>, vector<1x2048xf32>,
    %get3A_39 = arith.constant 0 : index
    %get3A_40 = arith.constant 0 : index
    %get3A_41 = vector.load %arg7[%get3A_39, %get3A_40] : memref<256x512xf32, #tpu.memory_space<vmem>>, vector<256x512xf32>
    %dot_general3A_42 = arith.constant dense<0.000000e+00> : vector<2048x256xf32>
    %dot_general3A_43 = tpu.matmul %get3A_20, %get3A_41, %dot_general3A_42 {dimension_numbers = #tpu.dot_dimension_numbers<[1], [1], [0], [0], [0, 0, 1, 0], [], []>, transpose_lhs_hint = false} : vector<2048x512xf32>, vector<256x512xf32>, vector<2048x256xf32> -> vector<2048x256xf32>
    %get3A_44 = arith.constant 0 : index
    %get3A_45 = arith.constant 0 : index
    %get3A_46 = vector.load %arg8[%get3A_44, %get3A_45] : memref<1x256xf32, #tpu.memory_space<vmem>>, vector<1x256xf32>
    %add3A_47 = vector.broadcast %get3A_46 : vector<1x256xf32> to vector<2048x256xf32>
    %add3A_48 = arith.addf %dot_general3A_43, %add3A_47 : vector<2048x256xf32>
    %max3A_49 = arith.constant 0.000000e+00 : f32
    %max3A_50 = vector.broadcast %max3A_49 : f32 to vector<2048x256xf32>
    %max3A_51 = arith.maximumf %add3A_48, %max3A_50 : vector<2048x256xf32>
    %get3A_52 = arith.constant 0 : index
    %get3A_53 = arith.constant 0 : index
    %get3A_54 = vector.load %arg9[%get3A_52, %get3A_53] : memref<1x256xf32, #tpu.memory_space<vmem>>, vector<1x256xf32>
    %dot_general3A_55 = arith.constant dense<0.000000e+00> : vector<1x2048xf32>
    %dot_general3A_56 = tpu.matmul %get3A_54, %max3A_51, %dot_general3A_55 {dimension_numbers = #tpu.dot_dimension_numbers<[1], [1], [0], [0], [0, 0, 1, 0], [], []>, transpose_lhs_hint = false} : vector<1x256xf32>, vector<2048x256xf32>, vector<1x2048xf32> -> vector<1x2048xf32>
    %get3A_57 = arith.constant 0 : index
    %get3A_58 = arith.constant 0 : index
    %get3A_59 = vector.load %arg10[%get3A_57, %get3A_58] : memref<1x1xf32, #tpu.memory_space<vmem>>, vector<1x1xf32>
    %add3A_60 = vector.broadcast %get3A_59 : vector<1x1xf32> to vector<1x2048xf32>
    %add3A_61 = arith.addf %dot_general3A_56, %add3A_60 : vector<1x2048xf32>
    %neg3A = arith.constant 0.000000e+00 : f32
    %neg3A_62 = vector.broadcast %neg3A : f32 to vector<1x2048xf32>
    %neg3A_63 = arith.subf %neg3A_62, %add3A_61 : vector<1x2048xf32>
    %exp3A = math.exp %neg3A_63 : vector<1x2048xf32>
    %add3A_64 = arith.constant 1.000000e+00 : f32
    %add3A_65 = vector.broadcast %add3A_64 : f32 to vector<1x2048xf32>
    %add3A_66 = arith.addf %add3A_65, %exp3A : vector<1x2048xf32>
    %div3A_67 = arith.constant 1.000000e+00 : f32
    %div3A_68 = vector.broadcast %div3A_67 : f32 to vector<1x2048xf32>
    %div3A_69 = arith.divf %div3A_68, %add3A_66 : vector<1x2048xf32>
    %swap3A_70 = arith.constant 0 : index
    %swap3A_71 = arith.constant 0 : index
    %swap3A_72 = vector.load %arg12[%swap3A_70, %swap3A_71] : memref<1x2048xf32, #tpu.memory_space<vmem>>, vector<1x2048xf32>
    tpu.vector_store %arg12[%swap3A_70, %swap3A_71], %div3A_69 {strides = array<i32>} : memref<1x2048xf32, #tpu.memory_space<vmem>>, vector<1x2048xf32>,
    return
  }
  func.func @transform_0(%arg0: i32) -> (i32, i32) {
    %c0_i32 = arith.constant 0 : i32
    %c0_i32_0 = arith.constant 0 : i32
    return %arg0, %c0_i32 : i32, i32
  }
  func.func @transform_1(%arg0: i32) -> (i32, i32) {
    %c0_i32 = arith.constant 0 : i32
    %c0_i32_0 = arith.constant 0 : i32
    %c0_i32_1 = arith.constant 0 : i32
    return %c0_i32, %c0_i32_0 : i32, i32
  }
  func.func @transform_2(%arg0: i32) -> (i32, i32) {
    %c0_i32 = arith.constant 0 : i32
    %c0_i32_0 = arith.constant 0 : i32
    %c0_i32_1 = arith.constant 0 : i32
    return %c0_i32, %c0_i32_0 : i32, i32
  }
  func.func @transform_3(%arg0: i32) -> (i32, i32) {
    %c0_i32 = arith.constant 0 : i32
    %c0_i32_0 = arith.constant 0 : i32
    %c0_i32_1 = arith.constant 0 : i32
    return %c0_i32, %c0_i32_0 : i32, i32
  }
  func.func @transform_4(%arg0: i32) -> (i32, i32) {
    %c0_i32 = arith.constant 0 : i32
    %c0_i32_0 = arith.constant 0 : i32
    %c0_i32_1 = arith.constant 0 : i32
    return %c0_i32, %c0_i32_0 : i32, i32
  }
  func.func @transform_5(%arg0: i32) -> (i32, i32) {
    %c0_i32 = arith.constant 0 : i32
    %c0_i32_0 = arith.constant 0 : i32
    %c0_i32_1 = arith.constant 0 : i32
    return %c0_i32, %c0_i32_0 : i32, i32
  }
  func.func @transform_6(%arg0: i32) -> (i32, i32) {
    %c0_i32 = arith.constant 0 : i32
    %c0_i32_0 = arith.constant 0 : i32
    %c0_i32_1 = arith.constant 0 : i32
    return %c0_i32, %c0_i32_0 : i32, i32
  }
  func.func @transform_7(%arg0: i32) -> (i32, i32) {
    %c0_i32 = arith.constant 0 : i32
    %c0_i32_0 = arith.constant 0 : i32
    %c0_i32_1 = arith.constant 0 : i32
    return %c0_i32, %c0_i32_0 : i32, i32
  }
  func.func @transform_8(%arg0: i32) -> (i32, i32) {
    %c0_i32 = arith.constant 0 : i32
    %c0_i32_0 = arith.constant 0 : i32
    %c0_i32_1 = arith.constant 0 : i32
    return %c0_i32, %c0_i32_0 : i32, i32
  }
  func.func @transform_9(%arg0: i32) -> (i32, i32) {
    %c0_i32 = arith.constant 0 : i32
    %c0_i32_0 = arith.constant 0 : i32
    %c0_i32_1 = arith.constant 0 : i32
    return %c0_i32, %c0_i32_0 : i32, i32
  }
  func.func @transform_10(%arg0: i32) -> (i32, i32) {
    %c0_i32 = arith.constant 0 : i32
    %c0_i32_0 = arith.constant 0 : i32
    return %c0_i32, %arg0 : i32, i32
  }
  func.func @transform_11(%arg0: i32) -> (i32, i32) {
    %c0_i32 = arith.constant 0 : i32
    %c0_i32_0 = arith.constant 0 : i32
    return %c0_i32, %arg0 : i32, i32
  }
}

</mosaic_0001>

<sc_bundles>
// kernel: kernel.5.cloned.1.call-start
scs
__scs_entry_jumppad:
0x0: {  	(pc) =	sbr.rel $0x88, $3  }
0x1: {  	(tag) =	ssettag $0x0;
	lr =	simm.s32 $0x1  }
0x2: {  	[smem:$0x3F97] =	sst lr;
	_ =	strace $0xD0000000  }
0x3: {  	_ = 	snop  }
0x4: {  	_ = 	snop  }
0x5: {  	_ = 	snop  }
0x6: {  	_ = 	snop  }
0x7: {  	_ = 	snop  }
__scs_overlays_trampoline_lowered:
0x8: {  	[smem:$0x3FA6] =	sst s0  }
0x9: {  	[smem:$0x3FA7] =	sst s1  }
0xa: {  	[smem:$0x3FA8] =	sst s2  }
0xb: {  	[smem:$0x3FA9] =	sst s3  }
0xc: {  	[smem:$0x3FAA] =	sst s4  }
0xd: {  	[smem:$0x3FAB] =	sst s5  }
0xe: {  	[smem:$0x3FAC] =	sst s6  }
0xf: {  	[smem:$0x3FAD] =	sst s7  }
0x10: {  	[smem:$0x3FAE] =	sst s8  }
0x11: {  	[smem:$0x3FAF] =	sst s9;
	s0 =	simm.s32 @!p0 $0x0  }
0x12: {  	s1 =	sld [smem:$0x3F95];
	s0 =	simm.s32 @p0 $0x1  }
0x13: {  	[smem:$0x3FB0] =	sst s0;
	s0 =	simm.s32 @!p1 $0x0  }
0x14: {  	s2 =	sld [smem:$0x3F94];
	s0 =	simm.s32 @p1 $0x1  }
0x15: {  	[smem:$0x3FB1] =	sst s0;
	s0 =	simm.s32 @!p2 $0x0  }
0x16: {  	s3 =	sld [smem:$0x3FDB];
	s0 =	simm.s32 @p2 $0x1  }
0x17: {  	s4 =	simm.s32 $0x1BF5;
	[smem:$0x3FB3] =	sst s0  }
0x18: {  	s0 =	sld [smem:$0x3F96];
	_ =	swait.ge [sflag:s4], $0x0  }
0x19: {  	s7 =	sld [smem:$0x3F97]  }
0x1a: {  	s8 =	sadd.s32 $0xFFFFE003, lr  }
0x1b: {  	s9 =	sadd.s32 $0xFFFFFEF7, lr;
	s5 =	simm.s32 $0xFFFFFFFF;
	p2 =	slt.u32 s8, $0xFFFFF086  }
0x1c: {  	p1 =	slt.u32 s9, $0xF7A;
	s5 =	simm.s32 @!p2 $0x0  }
0x1d: {  	s5 =	simm.s32 @p1 $0x1;
	p0 =	seq.s32 s7, s2  }
0x1e: {  	s7 =	smul.u32 @!p0 $0xF7A, s2;
	p2 =	seq.s32 @!p0 s5, $0x0  }
0x1f: {  	s9 =	smul.u32 $0xF7A, s1;
	s8 =	simm.s32 @!p0 $0x1BF5;
	p2 =	por !p2, p0  }
0x20: {  	[sflag:s8] =	ssyncset.s32 @!p0 $0xFFFFF086;
	s6 =	sadd.s32 @!p0 s3, s7;
	s7 =	simm.s32 @!p0 $0x108  }
0x21: {  	s3 =	sadd.s32 s3, s9;
	s6 =	sadd.s32 @!p0 $0x88, s6;
	s7 =	simm.s32 @p2 $0x1082  }
0x22: {  	[simem:s7], [sflag:s8] =	dma.local @!p0 [hbm:s6], $0xF7A  }
0x23: {  	s9 =	sor.u32 $0xD0000000, s2;
	s6 =	simm.s32 $0x108;
	_ =	swait.ge @!p0 [sflag:s8], $0x0  }
0x24: {  	s3 =	sadd.s32 $0x88, s3;
	s6 =	simm.s32 @!p1 $0x1082;
	[sflag:s4] =	ssyncset.s32 $0xFFFFF086  }
0x25: {  	[simem:s6], [sflag:s4] =	dma.local [hbm:s3], $0xF7A  }
0x26: {  	[smem:$0x3F97] =	sst s1;
	(tag) =	ssettag s2;
	_ =	strace s9  }
0x27: {  	s1 =	sld [smem:$0x3FA7]  }
0x28: {  	s2 =	sld [smem:$0x3FA8]  }
0x29: {  	s4 =	sld [smem:$0x3FAA]  }
0x2a: {  	p0 =	seq.s32 s5, $0x0;
	s5 =	sld [smem:$0x3FAB]  }
0x2b: {  	s6 =	sld [smem:$0x3FAC]  }
0x2c: {  	s7 =	sld [smem:$0x3FAD]  }
0x2d: {  	s3 =	simm.s32 $0x108;
	s8 =	sld [smem:$0x3FAE]  }
0x2e: {  	s3 =	simm.s32 @!p0 $0x1082;
	s9 =	sld [smem:$0x3FAF]  }
0x2f: {  	lr =	sadd.s32 s0, s3;
	s0 =	sld [smem:$0x3FA6]  }
0x30: {  	s3 =	sld [smem:$0x3FA9]  }
0x31: {  	[smem:$0x3FB2] =	sst s10  }
0x32: {  	s10 =	sld [smem:$0x3FB0];
	_ =	sdelay $0x3  }
0x33: {  	p0 =	seq.s32 s10, $0x1;
	s10 =	sld [smem:$0x3FB2];
	_ =	sdelay $0x3  }
0x34: {  	[smem:$0x3FB2] =	sst s10  }
0x35: {  	s10 =	sld [smem:$0x3FB1];
	_ =	sdelay $0x3  }
0x36: {  	p1 =	seq.s32 s10, $0x1;
	s10 =	sld [smem:$0x3FB2];
	_ =	sdelay $0x3  }
0x37: {  	[smem:$0x3FB2] =	sst s10  }
0x38: {  	s10 =	sld [smem:$0x3FB3]  }
0x39: {  	_ = 	snop;
	(pc) =	sbr.ind lr, $3  }
0x3a: {  	_ = 	snop  }
0x3b: {  	_ = 	snop  }
0x3c: {  	p2 =	seq.s32 s10, $0x1;
	s10 =	sld [smem:$0x3FB2]  }
0x3d: {  	_ =	shalt  }
0x3e: {  	_ =	shalt  }
0x3f: {  	_ =	shalt  }
0x40: {  	_ =	shalt  }
0x41: {  	_ =	shalt  }
0x42: {  	_ =	shalt  }
0x43: {  	_ =	shalt  }
0x44: {  	_ =	shalt  }
0x45: {  	_ =	shalt  }
0x46: {  	_ =	shalt  }
0x47: {  	_ =	shalt  }
0x48: {  	_ =	shalt  }
0x49: {  	_ =	shalt  }
0x4a: {  	_ =	shalt  }
0x4b: {  	_ =	shalt  }
0x4c: {  	_ =	shalt  }
0x4d: {  	_ =	shalt  }
0x4e: {  	_ =	shalt  }
0x4f: {  	_ =	shalt  }
0x50: {  	_ =	shalt  }
0x51: {  	_ =	shalt  }
0x52: {  	_ =	shalt  }
0x53: {  	_ =	shalt  }
0x54: {  	_ =	shalt  }
0x55: {  	_ =	shalt  }
0x56: {  	_ =	shalt  }
0x57: {  	_ =	shalt  }
0x58: {  	_ =	shalt  }
0x59: {  	_ =	shalt  }
0x5a: {  	_ =	shalt  }
0x5b: {  	_ =	shalt  }
0x5c: {  	_ =	shalt  }
0x5d: {  	_ =	shalt  }
0x5e: {  	_ =	shalt  }
0x5f: {  	_ =	shalt  }
0x60: {  	_ =	shalt  }
0x61: {  	_ =	shalt  }
0x62: {  	_ =	shalt  }
0x63: {  	_ =	shalt  }
0x64: {  	_ =	shalt  }
0x65: {  	_ =	shalt  }
0x66: {  	_ =	shalt  }
0x67: {  	_ =	shalt  }
0x68: {  	_ =	shalt  }
0x69: {  	_ =	shalt  }
0x6a: {  	_ =	shalt  }
0x6b: {  	_ =	shalt  }
0x6c: {  	_ =	shalt  }
0x6d: {  	_ =	shalt  }
0x6e: {  	_ =	shalt  }
0x6f: {  	_ =	shalt  }
0x70: {  	_ =	shalt  }
0x71: {  	_ =	shalt  }
0x72: {  	_ =	shalt  }
0x73: {  	_ =	shalt  }
0x74: {  	_ =	shalt  }
0x75: {  	_ =	shalt  }
0x76: {  	_ =	shalt  }
0x77: {  	_ =	shalt  }
0x78: {  	_ =	shalt  }
0x79: {  	_ =	shalt  }
0x7a: {  	_ =	shalt  }
0x7b: {  	_ =	shalt  }
0x7c: {  	_ =	shalt  }
0x7d: {  	_ =	shalt  }
0x7e: {  	_ =	shalt  }
0x7f: {  	_ =	shalt  }
0x80: {  	_ =	shalt  }
0x81: {  	_ =	shalt  }
0x82: {  	_ =	shalt  }
0x83: {  	_ =	shalt  }
0x84: {  	_ =	shalt  }
0x85: {  	_ =	shalt  }
0x86: {  	_ =	shalt  }
0x87: {  	_ =	shalt  }
.Lfunc_end0:
.L_simem_size_0:
called_computation_lowered:
.L_overlay_start_0:
0x88: {  	s2 =	sld [smem:$0x3FD9]  }
0x89: {  	s3 =	sld [smem:$0x3FFE];
	_ =	sdelay $0x1  }
0x8a: {  	s1 =	srdreg.scid  }
0x8b: {  	s0 =	sand.u32 $0x1, s1  }
0x8c: {  	s14 =	sshll.u32 s0, $0xA;
	s2 =	sadd.s32 s3, s2  }
0x8d: {  	s2 =	sadd.s32 s2, s14  }
0x8e: {  	[smem:$0x3FBE] =	sst s2  }
0x8f: {  	_ = 	snop  }
0x90: {  	s2 =	sld [smem:$0x3FD0];
	_ =	sdelay $0x2  }
0x91: {  	s4 =	simm.s32 $0xA;
	s5 =	simm.s32 $0x10;
	s15 =	sld [smem:$0x3FC9]  }
0x92: {  	[smem:s5], [sflag:s4] =	dma.local [hbm:s2], $0x1  }
0x93: {  	_ =	swait.eq [sflag:s4], $0x1  }
0x94: {  	[sflag:s4] =	ssyncset.done $0x0  }
0x95: {  	[sflag:s4] =	ssyncadd.s32 $0xFFFFFFFF  }
0x96: {  	s16 =	sld [smem:$0x10];
	(tm) =	ssettm $0x1  }
0x97: {  	s17 =	sld [smem:$0x3FFB];
	_ =	sdelay $0x3  }
0x98: {  	_ =	strace s17  }
0x99: {  	s4 =	sld [smem:$0x3FFC];
	_ =	sdelay $0x3  }
0x9a: {  	_ =	strace s4  }
0x9b: {  	s4 =	sld [smem:$0x3FFD];
	_ =	sdelay $0x3  }
0x9c: {  	_ =	strace s4  }
0x9d: {  	_ =	strace $0x8FFFFFFF  }
0x9e: {  	s18 =	sld [smem:$0x3FDB];
	_ =	sdelay $0x1  }
0x9f: {  	s19 =	simm.s32 $_scs_section_size  }
0xa0: {  	s6 =	simm.s32 $_size__tile_overlayer_lowered;
	s7 =	simm.s32 $_tile_overlayer_lowered  }
0xa1: {  	s22 =	simm.s32 $0x1BFF;
	s21 =	sshll.u32 s7, $0x1;
	s4 =	sadd.s32 s19, s18  }
0xa2: {  	s8 =	simm.s32 $0x0;
	s20 =	sshll.u32 s6, $0x1;
	s6 =	sadd.s32 s21, s4  }
0xa3: {  	[timem:s8], [sflag:s22] =	dma.local [hbm:s6], s20  }
0xa4: {  	_ =	swait.ge [sflag:s22], s20  }
0xa5: {  	s5 =	ssub.s32 $0x0, s20;
	[sflag:s22] =	ssyncset.done $0x0  }
0xa6: {  	[sflag:s22] =	ssyncadd.s32 s5;
	_ =	sdelay $0x1  }
0xa7: {  	s23 =	simm.s32 $0x1B8B  }
0xa8: {  	_ =	swait.ge [sflag:s23], $0x1  }
0xa9: {  	[sflag:s23] =	ssyncset.done $0x0  }
0xaa: {  	s25 =	simm.s32 $0x1B8E;
	s24 =	sld [smem:$0x3FFE];
	[sflag:s23] =	ssyncadd.s32 $0xFFFFFFFF  }
0xab: {  	s26 =	simm.s32 $execute0_lowered;
	[smem:$0x3FD2] =	sst s25  }
0xac: {  	s6 =	sshll.u32 s26, $0x1;
	_ =	strace $0x80000046;
	[dreg:$0x1] =	wrdreg $0xFFFFFFFF  }
0xad: {  	s28 =	simm.s32 $_size_execute0_lowered;
	s4 =	sadd.s32 s4, s6;
	[dreg:$0x0] =	wrdreg $0x0  }
0xae: {  	s6 =	sshll.u32 s28, $0x1;
	[dreg:$0x2] =	wrdreg s4  }
0xaf: {  	[dreg:$0x3] =	wrdreg s6  }
0xb0: {  	[dreg:$0x4] =	wrdreg $0xC0  }
0xb1: {  	_ =	task [dreg:s8], $0x5FFFF  }
0xb2: {  	[dreg:$0x1] =	wrdreg $0xFFFFFFFF  }
0xb3: {  	[dreg:$0x0] =	wrdreg $0x60  }
0xb4: {  	[dreg:$0x2] =	wrdreg s15  }
0xb5: {  	[dreg:$0x3] =	wrdreg s24  }
0xb6: {  	[dreg:$0x4] =	wrdreg s16  }
0xb7: {  	[dreg:$0x5] =	wrdreg $0x9  }
0xb8: {  	_ =	task.clear_ibuf [dreg:s8], $0x6FFFF;
	_ =	strace $0x90000046  }
0xb9: {  	s29 =	simm.s32 $0x9;
	_ =	strace $0x80000048  }
0xba: {  	_ =	swait.ge [sflag:s29], $0x1  }
0xbb: {  	[sflag:s29] =	ssyncadd.s32 $0xFFFFFFFF  }
0xbc: {  	_ =	strace $0x90000048  }
0xbd: {  	_ =	sfence  }
0xbe: {  	s30 =	sld [smem:$0x0];
	_ =	sdelay $0x2  }
0xbf: {  	s31 =	sshll.u32 s1, $0xD;
	s1 =	sshrl.u32 s1, $0x2  }
0xc0: {  	s3 =	sand.u32 $0x4000, s31;
	s1 =	sadd.s32 s1, s30  }
0xc1: {  	s0 =	sor.u32 s3, s0;
	s1 =	sshll.u32 s1, $0x11  }
0xc2: {  	s0 =	sor.u32 s1, s0  }
0xc3: {  	s0 =	sadd.s32 $0x8F2B, s0  }
0xc4: {  	[sflag:s0] =	ssyncadd.remote.s32 $0x1  }
0xc5: {  	_ =	sfence.sel $0xFFFF  }
0xc6: {  	[dreg:$0x0] =	wrdreg $0xFFFFFFFF;
	(pc) =	sbr.abs _section_cstart, $3  }
0xc7: {  	[dreg:$0x1] =	wrdreg $0xFFFFFFFF  }
0xc8: {  	_ =	task.clear_ibuf [dreg:s8], $0x2FFFF;
	_ =	strace $0x9FFFFFFF  }
0xc9: {  	(tm) =	ssettm $0x7FFFFFFF  }
tec
execute0_lowered:
.L_overlay_start_1:
0x0: {  	(tag) =	ssettag $0x1  }
0x1: {  	s1 =	stileid.u32  }
0x2: {  	p0 =	sgt.u32 s1, $0x3  }
.Ltmp0:
0x3: {  	s2 =	rddreg [dreg:$0x0];
	(pc) =	sbr.rel @p0 .LBB2_4-.Ltmp0, $4  }
0x4: {  	s4 =	rddreg [dreg:$0x1]  }
0x5: {  	s10 =	rddreg [dreg:$0x2];
	s3 =	simm.s32 $0x0  }
0x6: {  	[smem:$0x7FF] =	sst s3  }
0x7: {  	s0 =	rddreg [dreg:$0x3];
	_ =	strace $0x80000047  }
0x8: {  	s5 =	srdreg.scid  }
0x9: {  	s30 =	sshll.u32 s1, $0x1;
	s8 =	sand.u32 $0x1, s5  }
0xa: {  	s4 =	sadd.s32 $0x1A00, s4;
	s11 =	sor.u32 s8, s30  }
0xb: {  	s5 =	sadd.s32 s4, s11;
	s4 =	simm.s32 $0x2  }
0xc: {  	[tilespmem:s3], [sflag:$0x2] =	stream.linear.gather [hbm4b:s5+s3], $0x8, $0x38;
	[tilespmem:$0x1080] =	vst v63  }
0xd: {  	_ =	swait.ge [sflag:s4], $0x8  }
0xe: {  	[sflag:s4] =	ssyncset.done $0x0  }
0xf: {  	[sflag:s4] =	ssyncadd.s32 $0xFFFFFFF8  }
0x10: {  	v0 =	vld.msk [tilespmem:$0x0], $0xff;
	_ =	sdelay $0x4  }
0x11: {  	v1 =	vshll.u32 v0, $0x2  }
0x12: {  	v2 =	vlaneseq.u32;
	v3 =	vand.u32 $0x7, v0;
	v1 =	vand.u32 $0xFFFFFFE0, v1  }
0x13: {  	v0 =	vand.u32 $0x7, v2;
	v2 =	vshrl.u32 v2, $0x3;
	v3 =	vor.u32 v3, v1  }
0x14: {  	v1 =	vmul.u32 $0x8, v2;
	v2 =	vperm.xlane v3, v0;
	_ =	sdelay $0x1  }
0x15: {  	v2 =	vadd.s32 v1, v2;
	_ =	sdelay $0x1  }
0x16: {  	s12 =	ssub.s32 $0x2, s8  }
0x17: {  	s13 =	sshrl.u32 s12, $0x1  }
0x18: {  	s6 =	sadd.s32 $0x100, s2;
	vm0 =	vmmov $0xffff;
	s7 =	simm.s32 $0x80;
	s12 =	ssub.s32 s12, s13  }
0x19: {  	[tilespmem:s7], [sflag:$0x1] =	stream.indirect_vreg.gather [hbm4b:s2+s3], $0x80, v2, vm0, $0xb8;
	[tilespmem:$0x1080] =	vst v63  }
0x1a: {  	s9 =	simm.s32 $0x1;
	s8 =	simm.s32 $0x880;
	s31 =	smax.u32 s12, $0x1  }
0x1b: {  	[tilespmem:s8], [sflag:$0x1] =	stream.indirect_vreg.gather [hbm4b:s6+s3], $0x80, v2, vm0, $0xb8;
	[tilespmem:$0x1080] =	vst v63  }
0x1c: {  	p0 =	sne.s32 s31, $0x1;
	_ =	swait.ge [sflag:s9], $0x1000  }
.Ltmp1:
0x1d: {  	s11 =	sshll.u32 s11, $0x9;
	[sflag:s9] =	ssyncset.done $0x0;
	(pc) =	sbr.rel @!p0 .LBB2_3-.Ltmp1, $4  }
0x1e: {  	s10 =	sadd.s32 s10, s11;
	[sflag:s9] =	ssyncadd.s32 $0xFFFFF000  }
0x1f: {  	[hbm4b:s10+s3] =	stream.linear.scatter [tilespmem:s7], [sflag:$0x2], $0x1000, $0x38;
	[tilespmem:$0x1080] =	vst v63  }
0x20: {  	_ =	swait.ge [sflag:s4], $0x1000  }
0x21: {  	s11 =	sadd.s32 $0xFFFFFFFF, s31;
	[sflag:s4] =	ssyncset.done $0x0  }
.LBB2_2:
0x22: {  	p0 =	sne.s32 s11, $0x1;
	s11 =	sadd.s32 $0xFFFFFFFF, s11;
	[sflag:s4] =	ssyncadd.s32 $0xFFFFF000  }
0x23: {  	[tilespmem:s3], [sflag:$0x2] =	stream.linear.gather [hbm4b:s5+s3], $0x8, $0x38;
	[tilespmem:$0x1080] =	vst v63  }
0x24: {  	_ =	swait.ge [sflag:s4], $0x8  }
0x25: {  	[sflag:s4] =	ssyncset.done $0x0  }
0x26: {  	[sflag:s4] =	ssyncadd.s32 $0xFFFFFFF8  }
0x27: {  	v2 =	vld.msk [tilespmem:$0x0], $0xff;
	_ =	sdelay $0x4  }
0x28: {  	v3 =	vshll.u32 v2, $0x2  }
0x29: {  	v2 =	vand.u32 $0x7, v2;
	v3 =	vand.u32 $0xFFFFFFE0, v3  }
0x2a: {  	v2 =	vor.u32 v2, v3  }
0x2b: {  	v2 =	vperm.xlane v2, v0;
	_ =	sdelay $0x1  }
0x2c: {  	v2 =	vadd.s32 v1, v2;
	_ =	sdelay $0x4  }
0x2d: {  	[tilespmem:s7], [sflag:$0x1] =	stream.indirect_vreg.gather [hbm4b:s2+s3], $0x80, v2, vm0, $0xb8;
	[tilespmem:$0x1080] =	vst v63  }
0x2e: {  	_ = 	snop  }
0x2f: {  	[tilespmem:s8], [sflag:$0x1] =	stream.indirect_vreg.gather [hbm4b:s6+s3], $0x80, v2, vm0, $0xb8;
	[tilespmem:$0x1080] =	vst v63  }
0x30: {  	_ =	swait.ge [sflag:s9], $0x1000  }
.Ltmp2:
0x31: {  	[sflag:s9] =	ssyncset.done $0x0;
	(pc) =	sbr.rel @p0 .LBB2_2-.Ltmp2, $4  }
0x32: {  	[sflag:s9] =	ssyncadd.s32 $0xFFFFF000  }
0x33: {  	[hbm4b:s10+s3] =	stream.linear.scatter [tilespmem:s7], [sflag:$0x2], $0x1000, $0x38;
	[tilespmem:$0x1080] =	vst v63  }
0x34: {  	_ =	swait.ge [sflag:s4], $0x1000  }
0x35: {  	[sflag:s4] =	ssyncset.done $0x0  }
.LBB2_3:
0x36: {  	[sflag:s4] =	ssyncadd.s32 $0xFFFFF000  }
.LBB2_4:
0x37: {  	_ =	sfence.sel $0x180000  }
0x38: {  	[bflag:$0x0] =	sbarrier.arrive $0xFFFF  }
0x39: {  	p0 =	sne.s32 s1, $0x0;
	_ =	strace $0x90000047  }
0x3a: {  	s0 =	sadd.s32 @!p0 $0x100000, s0;
	[bflag:$0x2] =	sbarrier.arrive $0xFFFF  }
0x3b: {  	[sflag:s0] =	ssyncadd.tile.s32 @!p0 $0x1;
	_ =	shalt  }
.Lfunc_end2:
_tile_overlayer_lowered:
.L_overlay_start_2:
0x3c: {  	(tag) =	ssettag $0x2  }
0x3d: {  	s0 =	rddreg [dreg:$0x0];
	s2 =	stileid.u32  }
0x3e: {  	s1 =	rddreg [dreg:$0x1];
	p0 =	sne.s32 s2, $0x0  }
0x3f: {  	s3 =	rddreg [dreg:$0x2];
	[bflag:$0x3] =	sbarrier.arrive $0xFFFF;
	s2 =	simm.s32 @!p0 $0x1C02  }
0x40: {  	[timem:s3], [sflag:s2] =	dma.local @!p0 [hbm:s0], s1  }
0x41: {  	s0 =	simm.s32 @!p0 $0x2  }
0x42: {  	_ =	swait.ge @!p0 [sflag:s0], s1  }
0x43: {  	s1 =	ssub.s32 @!p0 $0x0, s1;
	[sflag:s0] =	ssyncset.done @!p0 $0x0  }
0x44: {  	[sflag:s0] =	ssyncadd.s32 @!p0 s1  }
0x45: {  	[bflag:$0x3] =	sbarrier.arrive $0xFFFF  }
0x46: {  	_ =	shalt  }

</sc_bundles>
